<compile_context>
chip_gen: v7x
topology: tpu7x:2x2x1
jax: 0.10.2.dev20260603
libtpu: 0.0.44.dev20260713+nightly
codegen_flags: <defaults>
</compile_context>

<pallas_src>
import functools

import jax
import jax.numpy as jnp
from jax import lax
from jax.experimental import pallas as pl
from jax.experimental.pallas import tpu as pltpu
from jax.experimental.pallas import tpu_sc as plsc

_VOCAB = 100000
_EMBDIM = 128
_BATCH = 4096
_SEQLEN = 200

_B = _BATCH * _SEQLEN
_NC = 2
_NS = 16
_NW = _NC * _NS
_B_PER_W = _B // _NW
_CHUNK = 128
_NCHUNKS = _B_PER_W // _CHUNK
_NBUF = 5


def _make_gather():
    mesh = plsc.VectorSubcoreMesh(core_axis_name="c", subcore_axis_name="s")

    @functools.partial(
        pl.kernel,
        mesh=mesh,
        out_type=jax.ShapeDtypeStruct((_B, _EMBDIM), jnp.float32),
        scratch_types=[
            pltpu.VMEM((_NCHUNKS, _CHUNK), jnp.int32),
            pltpu.VMEM((_NBUF, _CHUNK, _EMBDIM), jnp.float32),
        ]
        + [pltpu.SemaphoreType.DMA] * (2 * _NBUF),
    )
    def gather_kernel(idx_hbm, table_hbm, out_hbm, idx_v, rows_v, *sems):
        gsems = sems[:_NBUF]
        osems = sems[_NBUF:]
        wid = lax.axis_index("s") * _NC + lax.axis_index("c")
        base = wid * _B_PER_W

        pltpu.sync_copy(idx_hbm.at[wid], idx_v)

        def start_gather(j, b):
            pltpu.async_copy(table_hbm.at[idx_v.at[j]], rows_v.at[b], gsems[b])

        def wait_gather(j, b):
            pltpu.make_async_copy(
                table_hbm.at[idx_v.at[j]], rows_v.at[b], gsems[b]
            ).wait()

        def out_slice(j):
            return out_hbm.at[pl.ds(base + j * _CHUNK, _CHUNK)]

        def start_out(j, b):
            pltpu.async_copy(rows_v.at[b], out_slice(j), osems[b])

        def wait_out(j, b):
            pltpu.make_async_copy(rows_v.at[b], out_slice(j), osems[b]).wait()

        for b in range(_NBUF):
            start_gather(b, b)

        def group(g0, _):
            g = g0 * _NBUF
            for b in range(_NBUF):
                wait_gather(g + b, b)
                start_out(g + b, b)
            for b in range(_NBUF):
                wait_out(g + b, b)

                @pl.when(g + b + _NBUF < _NCHUNKS)
                def _():
                    start_gather(g + b + _NBUF, b)

            return 0

        lax.fori_loop(0, _NCHUNKS // _NBUF, group, 0)

    return gather_kernel


_gather = _make_gather()


def kernel(sequence, table):
    idx = sequence.astype(jnp.int32).reshape(_NW, _NCHUNKS, _CHUNK)
    out = _gather(idx, table)
    return out.reshape(_BATCH, _SEQLEN, _EMBDIM)

# --- scband reference (transcript-rebuilt; emitter-appended) ---
"""Pipeline reference for scband-pretrained-embeddings-87737591922962 (READ-ONLY COPY).

The authoritative reference and input builder live on the scoring server;
editing this copy changes nothing except your own understanding.
"""

import jax, jax.numpy as jnp
import numpy as np

VOCAB = 100000
EMBDIM = 128
BATCH = 4096
SEQLEN = 200


def setup_inputs(seed: int = 0) -> dict:
    key = jax.random.key(seed)
    k_idx, k_tab = jax.random.split(key)
    sequence = jax.random.randint(k_idx, (BATCH, SEQLEN), 0, VOCAB, dtype=jnp.int64 if jax.config.jax_enable_x64 else jnp.int32)
    # nn.Embedding default init: N(0, 1)
    table = jax.random.normal(k_tab, (VOCAB, EMBDIM), dtype=jnp.float32)
    return {"sequence": sequence, "table": table}


def reference(sequence, table):
    # PretrainedEmbeddings.forward: self.embeddings(sequence)
    return jnp.take(table, sequence, axis=0)

if __name__ == "__main__":
    import jax
    _d = setup_inputs()
    print(jax.jit(kernel)(*tuple(_d.values())))

</pallas_src>

<mosaic_0001>
#map = affine_map<(d0, d1) -> (0, 0, 0)>
#map1 = affine_map<(d0, d1) -> (0, 0)>
module attributes {stable_mosaic.version = 14 : i64} {
  func.func @gather_kernel(%arg0: i32, %arg1: i32, %arg2: memref<32x200x128xi32, #tpu.memory_space<hbm>>, %arg3: memref<100000x128xf32, #tpu.memory_space<hbm>>, %arg4: memref<819200x128xf32, #tpu.memory_space<hbm>>, %arg5: memref<200x128xi32, #tpu.memory_space<vmem>>, %arg6: memref<5x128x128xf32, #tpu.memory_space<vmem>>, %arg7: memref<!tpu.dma_semaphore, #tpu.memory_space<semaphore_mem>>, %arg8: memref<!tpu.dma_semaphore, #tpu.memory_space<semaphore_mem>>, %arg9: memref<!tpu.dma_semaphore, #tpu.memory_space<semaphore_mem>>, %arg10: memref<!tpu.dma_semaphore, #tpu.memory_space<semaphore_mem>>, %arg11: memref<!tpu.dma_semaphore, #tpu.memory_space<semaphore_mem>>, %arg12: memref<!tpu.dma_semaphore, #tpu.memory_space<semaphore_mem>>, %arg13: memref<!tpu.dma_semaphore, #tpu.memory_space<semaphore_mem>>, %arg14: memref<!tpu.dma_semaphore, #tpu.memory_space<semaphore_mem>>, %arg15: memref<!tpu.dma_semaphore, #tpu.memory_space<semaphore_mem>>, %arg16: memref<!tpu.dma_semaphore, #tpu.memory_space<semaphore_mem>>) attributes {dimension_semantics = [#tpu.dimension_semantics<core_parallel>, #tpu.dimension_semantics<subcore_parallel>], iteration_bounds = array<i64: 2, 16>, scalar_prefetch = 0 : i64, scratch_operands = 12 : i64, tpu.core_type = #tpu.core_type<sc_vector_subcore>, window_params = [{transform_indices = #map}, {transform_indices = #map1}, {transform_indices = #map1}]} {
    %mul3A = arith.constant 2 : i32
    %mul3A_0 = arith.muli %arg1, %mul3A : i32
    %add3A = arith.addi %mul3A_0, %arg0 : i32
    %mul3A_1 = arith.constant 25600 : i32
    %mul3A_2 = arith.muli %add3A, %mul3A_1 : i32
    "tpu.region"() ({
      %run_scoped3A = tpu.sem_alloc : memref<!tpu.dma_semaphore, #tpu.memory_space<semaphore_mem>>
      %dma_start3A_68 = arith.constant 0 : i32
      %dma_start3A_69 = arith.constant 0 : i32
      %dma_start3A_70 = tpu.memref_slice %arg2[%add3A, %dma_start3A_68, %dma_start3A_69] : memref<32x200x128xi32, #tpu.memory_space<hbm>> -> memref<1x200x128xi32, #tpu.memory_space<hbm>>
      %dma_start3A_71 = tpu.memref_squeeze %dma_start3A_70 : memref<1x200x128xi32, #tpu.memory_space<hbm>> -> memref<200x128xi32, #tpu.memory_space<hbm>>
      %dma_start3A_72 = arith.constant 0 : i32
      %dma_start3A_73 = arith.constant 0 : i32
      %dma_start3A_74 = tpu.memref_slice %arg2[%add3A, %dma_start3A_72, %dma_start3A_73] : memref<32x200x128xi32, #tpu.memory_space<hbm>> -> memref<1x200x128xi32, #tpu.memory_space<hbm>>
      %dma_start3A_75 = tpu.memref_squeeze %dma_start3A_74 : memref<1x200x128xi32, #tpu.memory_space<hbm>> -> memref<200x128xi32, #tpu.memory_space<hbm>>
      tpu.enqueue_dma source(%dma_start3A_75 : memref<200x128xi32, #tpu.memory_space<hbm>>) target(%arg5 : memref<200x128xi32, #tpu.memory_space<vmem>>) target_semaphore(%run_scoped3A : memref<!tpu.dma_semaphore, #tpu.memory_space<semaphore_mem>>)
      %dma_wait3A = arith.constant 0 : i32
      %dma_wait3A_76 = arith.constant 0 : i32
      %dma_wait3A_77 = tpu.memref_slice %arg2[%add3A, %dma_wait3A, %dma_wait3A_76] : memref<32x200x128xi32, #tpu.memory_space<hbm>> -> memref<1x200x128xi32, #tpu.memory_space<hbm>>
      %dma_wait3A_78 = tpu.memref_squeeze %dma_wait3A_77 : memref<1x200x128xi32, #tpu.memory_space<hbm>> -> memref<200x128xi32, #tpu.memory_space<hbm>>
      %dma_wait3A_79 = arith.constant 0 : i32
      %dma_wait3A_80 = arith.constant 0 : i32
      %dma_wait3A_81 = tpu.memref_slice %arg2[%add3A, %dma_wait3A_79, %dma_wait3A_80] : memref<32x200x128xi32, #tpu.memory_space<hbm>> -> memref<1x200x128xi32, #tpu.memory_space<hbm>>
      %dma_wait3A_82 = tpu.memref_squeeze %dma_wait3A_81 : memref<1x200x128xi32, #tpu.memory_space<hbm>> -> memref<200x128xi32, #tpu.memory_space<hbm>>
      tpu.wait_dma2 semaphore(%run_scoped3A : memref<!tpu.dma_semaphore, #tpu.memory_space<semaphore_mem>>) src(%dma_wait3A_82 : memref<200x128xi32, #tpu.memory_space<hbm>>) dst(%arg5 : memref<200x128xi32, #tpu.memory_space<vmem>>)
      tpu.yield
    }) : () -> ()
    %dma_start3A = arith.constant 0 : i32
    %dma_start3A_3 = arith.constant 0 : i32
    %dma_start3A_4 = arith.constant 0 : i32
    %dma_start3A_5 = arith.constant 0 : i32
    %dma_start3A_6 = tpu.memref_slice %arg6[%dma_start3A_3, %dma_start3A_4, %dma_start3A_5] : memref<5x128x128xf32, #tpu.memory_space<vmem>> -> memref<1x128x128xf32, #tpu.memory_space<vmem>>
    %dma_start3A_7 = tpu.memref_squeeze %dma_start3A_6 : memref<1x128x128xf32, #tpu.memory_space<vmem>> -> memref<128x128xf32, #tpu.memory_space<vmem>>
    %dma_start3A_8 = arith.constant 0 : i32
    %dma_start3A_9 = tpu.memref_slice %arg5[%dma_start3A, %dma_start3A_8] : memref<200x128xi32, #tpu.memory_space<vmem>> -> memref<1x128xi32, #tpu.memory_space<vmem>>
    %dma_start3A_10 = tpu.memref_squeeze %dma_start3A_9 : memref<1x128xi32, #tpu.memory_space<vmem>> -> memref<128xi32, #tpu.memory_space<vmem>>
    %dma_start3A_11 = arith.constant 0 : i32
    %dma_start3A_12 = arith.constant 0 : i32
    %dma_start3A_13 = tpu.memref_slice %arg3[%dma_start3A_11, %dma_start3A_12] : memref<100000x128xf32, #tpu.memory_space<hbm>> -> memref<100000x128xf32, #tpu.memory_space<hbm>>
    tpu.enqueue_indirect_dma source(%dma_start3A_13 : memref<100000x128xf32, #tpu.memory_space<hbm>>) target(%dma_start3A_7 : memref<128x128xf32, #tpu.memory_space<vmem>>) offsets(%dma_start3A_10 : memref<128xi32, #tpu.memory_space<vmem>>) semaphore(%arg7 : memref<!tpu.dma_semaphore, #tpu.memory_space<semaphore_mem>>)
    %dma_start3A_14 = arith.constant 1 : i32
    %dma_start3A_15 = arith.constant 1 : i32
    %dma_start3A_16 = arith.constant 0 : i32
    %dma_start3A_17 = arith.constant 0 : i32
    %dma_start3A_18 = tpu.memref_slice %arg6[%dma_start3A_15, %dma_start3A_16, %dma_start3A_17] : memref<5x128x128xf32, #tpu.memory_space<vmem>> -> memref<1x128x128xf32, #tpu.memory_space<vmem>>
    %dma_start3A_19 = tpu.memref_squeeze %dma_start3A_18 : memref<1x128x128xf32, #tpu.memory_space<vmem>> -> memref<128x128xf32, #tpu.memory_space<vmem>>
    %dma_start3A_20 = arith.constant 0 : i32
    %dma_start3A_21 = tpu.memref_slice %arg5[%dma_start3A_14, %dma_start3A_20] : memref<200x128xi32, #tpu.memory_space<vmem>> -> memref<1x128xi32, #tpu.memory_space<vmem>>
    %dma_start3A_22 = tpu.memref_squeeze %dma_start3A_21 : memref<1x128xi32, #tpu.memory_space<vmem>> -> memref<128xi32, #tpu.memory_space<vmem>>
    %dma_start3A_23 = arith.constant 0 : i32
    %dma_start3A_24 = arith.constant 0 : i32
    %dma_start3A_25 = tpu.memref_slice %arg3[%dma_start3A_23, %dma_start3A_24] : memref<100000x128xf32, #tpu.memory_space<hbm>> -> memref<100000x128xf32, #tpu.memory_space<hbm>>
    tpu.enqueue_indirect_dma source(%dma_start3A_25 : memref<100000x128xf32, #tpu.memory_space<hbm>>) target(%dma_start3A_19 : memref<128x128xf32, #tpu.memory_space<vmem>>) offsets(%dma_start3A_22 : memref<128xi32, #tpu.memory_space<vmem>>) semaphore(%arg8 : memref<!tpu.dma_semaphore, #tpu.memory_space<semaphore_mem>>)
    %dma_start3A_26 = arith.constant 2 : i32
    %dma_start3A_27 = arith.constant 2 : i32
    %dma_start3A_28 = arith.constant 0 : i32
    %dma_start3A_29 = arith.constant 0 : i32
    %dma_start3A_30 = tpu.memref_slice %arg6[%dma_start3A_27, %dma_start3A_28, %dma_start3A_29] : memref<5x128x128xf32, #tpu.memory_space<vmem>> -> memref<1x128x128xf32, #tpu.memory_space<vmem>>
    %dma_start3A_31 = tpu.memref_squeeze %dma_start3A_30 : memref<1x128x128xf32, #tpu.memory_space<vmem>> -> memref<128x128xf32, #tpu.memory_space<vmem>>
    %dma_start3A_32 = arith.constant 0 : i32
    %dma_start3A_33 = tpu.memref_slice %arg5[%dma_start3A_26, %dma_start3A_32] : memref<200x128xi32, #tpu.memory_space<vmem>> -> memref<1x128xi32, #tpu.memory_space<vmem>>
    %dma_start3A_34 = tpu.memref_squeeze %dma_start3A_33 : memref<1x128xi32, #tpu.memory_space<vmem>> -> memref<128xi32, #tpu.memory_space<vmem>>
    %dma_start3A_35 = arith.constant 0 : i32
    %dma_start3A_36 = arith.constant 0 : i32
    %dma_start3A_37 = tpu.memref_slice %arg3[%dma_start3A_35, %dma_start3A_36] : memref<100000x128xf32, #tpu.memory_space<hbm>> -> memref<100000x128xf32, #tpu.memory_space<hbm>>
    tpu.enqueue_indirect_dma source(%dma_start3A_37 : memref<100000x128xf32, #tpu.memory_space<hbm>>) target(%dma_start3A_31 : memref<128x128xf32, #tpu.memory_space<vmem>>) offsets(%dma_start3A_34 : memref<128xi32, #tpu.memory_space<vmem>>) semaphore(%arg9 : memref<!tpu.dma_semaphore, #tpu.memory_space<semaphore_mem>>)
    %dma_start3A_38 = arith.constant 3 : i32
    %dma_start3A_39 = arith.constant 3 : i32
    %dma_start3A_40 = arith.constant 0 : i32
    %dma_start3A_41 = arith.constant 0 : i32
    %dma_start3A_42 = tpu.memref_slice %arg6[%dma_start3A_39, %dma_start3A_40, %dma_start3A_41] : memref<5x128x128xf32, #tpu.memory_space<vmem>> -> memref<1x128x128xf32, #tpu.memory_space<vmem>>
    %dma_start3A_43 = tpu.memref_squeeze %dma_start3A_42 : memref<1x128x128xf32, #tpu.memory_space<vmem>> -> memref<128x128xf32, #tpu.memory_space<vmem>>
    %dma_start3A_44 = arith.constant 0 : i32
    %dma_start3A_45 = tpu.memref_slice %arg5[%dma_start3A_38, %dma_start3A_44] : memref<200x128xi32, #tpu.memory_space<vmem>> -> memref<1x128xi32, #tpu.memory_space<vmem>>
    %dma_start3A_46 = tpu.memref_squeeze %dma_start3A_45 : memref<1x128xi32, #tpu.memory_space<vmem>> -> memref<128xi32, #tpu.memory_space<vmem>>
    %dma_start3A_47 = arith.constant 0 : i32
    %dma_start3A_48 = arith.constant 0 : i32
    %dma_start3A_49 = tpu.memref_slice %arg3[%dma_start3A_47, %dma_start3A_48] : memref<100000x128xf32, #tpu.memory_space<hbm>> -> memref<100000x128xf32, #tpu.memory_space<hbm>>
    tpu.enqueue_indirect_dma source(%dma_start3A_49 : memref<100000x128xf32, #tpu.memory_space<hbm>>) target(%dma_start3A_43 : memref<128x128xf32, #tpu.memory_space<vmem>>) offsets(%dma_start3A_46 : memref<128xi32, #tpu.memory_space<vmem>>) semaphore(%arg10 : memref<!tpu.dma_semaphore, #tpu.memory_space<semaphore_mem>>)
    %dma_start3A_50 = arith.constant 4 : i32
    %dma_start3A_51 = arith.constant 4 : i32
    %dma_start3A_52 = arith.constant 0 : i32
    %dma_start3A_53 = arith.constant 0 : i32
    %dma_start3A_54 = tpu.memref_slice %arg6[%dma_start3A_51, %dma_start3A_52, %dma_start3A_53] : memref<5x128x128xf32, #tpu.memory_space<vmem>> -> memref<1x128x128xf32, #tpu.memory_space<vmem>>
    %dma_start3A_55 = tpu.memref_squeeze %dma_start3A_54 : memref<1x128x128xf32, #tpu.memory_space<vmem>> -> memref<128x128xf32, #tpu.memory_space<vmem>>
    %dma_start3A_56 = arith.constant 0 : i32
    %dma_start3A_57 = tpu.memref_slice %arg5[%dma_start3A_50, %dma_start3A_56] : memref<200x128xi32, #tpu.memory_space<vmem>> -> memref<1x128xi32, #tpu.memory_space<vmem>>
    %dma_start3A_58 = tpu.memref_squeeze %dma_start3A_57 : memref<1x128xi32, #tpu.memory_space<vmem>> -> memref<128xi32, #tpu.memory_space<vmem>>
    %dma_start3A_59 = arith.constant 0 : i32
    %dma_start3A_60 = arith.constant 0 : i32
    %dma_start3A_61 = tpu.memref_slice %arg3[%dma_start3A_59, %dma_start3A_60] : memref<100000x128xf32, #tpu.memory_space<hbm>> -> memref<100000x128xf32, #tpu.memory_space<hbm>>
    tpu.enqueue_indirect_dma source(%dma_start3A_61 : memref<100000x128xf32, #tpu.memory_space<hbm>>) target(%dma_start3A_55 : memref<128x128xf32, #tpu.memory_space<vmem>>) offsets(%dma_start3A_58 : memref<128xi32, #tpu.memory_space<vmem>>) semaphore(%arg11 : memref<!tpu.dma_semaphore, #tpu.memory_space<semaphore_mem>>)
    %scan3A = arith.constant 0 : i32
    %scan3A_62 = arith.constant 0 : i32
    %scan3A_63 = arith.constant 40 : i32
    %scan3A_64 = arith.addi %scan3A_62, %scan3A_63 : i32
    %scan3A_65 = arith.constant 1 : i32
    %scan3A_66 = scf.for %scan3A_68 = %scan3A_62 to %scan3A_64 step %scan3A_65 iter_args(%scan3A_69 = %scan3A) -> (i32)  : i32 {
      %mul3A_70 = arith.constant 5 : i32
      %mul3A_71 = arith.muli %scan3A_68, %mul3A_70 : i32
      %add3A_72 = arith.constant 0 : i32
      %add3A_73 = arith.addi %mul3A_71, %add3A_72 : i32
      %dma_wait3A = arith.constant 0 : i32
      %dma_wait3A_74 = arith.constant 0 : i32
      %dma_wait3A_75 = arith.constant 0 : i32
      %dma_wait3A_76 = tpu.memref_slice %arg6[%dma_wait3A, %dma_wait3A_74, %dma_wait3A_75] : memref<5x128x128xf32, #tpu.memory_space<vmem>> -> memref<1x128x128xf32, #tpu.memory_space<vmem>>
      %dma_wait3A_77 = tpu.memref_squeeze %dma_wait3A_76 : memref<1x128x128xf32, #tpu.memory_space<vmem>> -> memref<128x128xf32, #tpu.memory_space<vmem>>
      %dma_wait3A_78 = arith.constant 0 : i32
      %dma_wait3A_79 = tpu.memref_slice %arg5[%add3A_73, %dma_wait3A_78] : memref<200x128xi32, #tpu.memory_space<vmem>> -> memref<1x128xi32, #tpu.memory_space<vmem>>
      %dma_wait3A_80 = tpu.memref_squeeze %dma_wait3A_79 : memref<1x128xi32, #tpu.memory_space<vmem>> -> memref<128xi32, #tpu.memory_space<vmem>>
      %dma_wait3A_81 = arith.constant 0 : i32
      %dma_wait3A_82 = arith.constant 0 : i32
      %dma_wait3A_83 = tpu.memref_slice %arg3[%dma_wait3A_81, %dma_wait3A_82] : memref<100000x128xf32, #tpu.memory_space<hbm>> -> memref<100000x128xf32, #tpu.memory_space<hbm>>
      tpu.wait_indirect_dma semaphore(%arg7 : memref<!tpu.dma_semaphore, #tpu.memory_space<semaphore_mem>>) src(%dma_wait3A_83 : memref<100000x128xf32, #tpu.memory_space<hbm>>) dst(%dma_wait3A_77 : memref<128x128xf32, #tpu.memory_space<vmem>>)
      %add3A_84 = arith.constant 0 : i32
      %add3A_85 = arith.addi %mul3A_71, %add3A_84 : i32
      %mul3A_86 = arith.constant 128 : i32
      %mul3A_87 = arith.muli %add3A_85, %mul3A_86 : i32
      %add3A_88 = arith.addi %mul3A_2, %mul3A_87 : i32
      %dma_start3A_89 = arith.constant 0 : i32
      %dma_start3A_90 = arith.constant 0 : i32
      %dma_start3A_91 = arith.constant 0 : i32
      %dma_start3A_92 = tpu.memref_slice %arg6[%dma_start3A_89, %dma_start3A_90, %dma_start3A_91] : memref<5x128x128xf32, #tpu.memory_space<vmem>> -> memref<1x128x128xf32, #tpu.memory_space<vmem>>
      %dma_start3A_93 = tpu.memref_squeeze %dma_start3A_92 : memref<1x128x128xf32, #tpu.memory_space<vmem>> -> memref<128x128xf32, #tpu.memory_space<vmem>>
      %dma_start3A_94 = arith.constant 0 : i32
      %dma_start3A_95 = tpu.memref_slice %arg4[%add3A_88, %dma_start3A_94] : memref<819200x128xf32, #tpu.memory_space<hbm>> -> memref<128x128xf32, #tpu.memory_space<hbm>>
      %dma_start3A_96 = arith.constant 0 : i32
      %dma_start3A_97 = tpu.memref_slice %arg4[%add3A_88, %dma_start3A_96] : memref<819200x128xf32, #tpu.memory_space<hbm>> -> memref<128x128xf32, #tpu.memory_space<hbm>>
      %dma_start3A_98 = arith.constant 0 : i32
      %dma_start3A_99 = arith.constant 0 : i32
      %dma_start3A_100 = tpu.memref_slice %arg6[%dma_start3A_89, %dma_start3A_98, %dma_start3A_99] : memref<5x128x128xf32, #tpu.memory_space<vmem>> -> memref<1x128x128xf32, #tpu.memory_space<vmem>>
      %dma_start3A_101 = tpu.memref_squeeze %dma_start3A_100 : memref<1x128x128xf32, #tpu.memory_space<vmem>> -> memref<128x128xf32, #tpu.memory_space<vmem>>
      tpu.enqueue_dma source(%dma_start3A_101 : memref<128x128xf32, #tpu.memory_space<vmem>>) target(%dma_start3A_97 : memref<128x128xf32, #tpu.memory_space<hbm>>) target_semaphore(%arg12 : memref<!tpu.dma_semaphore, #tpu.memory_space<semaphore_mem>>)
      %add3A_102 = arith.constant 1 : i32
      %add3A_103 = arith.addi %mul3A_71, %add3A_102 : i32
      %dma_wait3A_104 = arith.constant 1 : i32
      %dma_wait3A_105 = arith.constant 0 : i32
      %dma_wait3A_106 = arith.constant 0 : i32
      %dma_wait3A_107 = tpu.memref_slice %arg6[%dma_wait3A_104, %dma_wait3A_105, %dma_wait3A_106] : memref<5x128x128xf32, #tpu.memory_space<vmem>> -> memref<1x128x128xf32, #tpu.memory_space<vmem>>
      %dma_wait3A_108 = tpu.memref_squeeze %dma_wait3A_107 : memref<1x128x128xf32, #tpu.memory_space<vmem>> -> memref<128x128xf32, #tpu.memory_space<vmem>>
      %dma_wait3A_109 = arith.constant 0 : i32
      %dma_wait3A_110 = tpu.memref_slice %arg5[%add3A_103, %dma_wait3A_109] : memref<200x128xi32, #tpu.memory_space<vmem>> -> memref<1x128xi32, #tpu.memory_space<vmem>>
      %dma_wait3A_111 = tpu.memref_squeeze %dma_wait3A_110 : memref<1x128xi32, #tpu.memory_space<vmem>> -> memref<128xi32, #tpu.memory_space<vmem>>
      %dma_wait3A_112 = arith.constant 0 : i32
      %dma_wait3A_113 = arith.constant 0 : i32
      %dma_wait3A_114 = tpu.memref_slice %arg3[%dma_wait3A_112, %dma_wait3A_113] : memref<100000x128xf32, #tpu.memory_space<hbm>> -> memref<100000x128xf32, #tpu.memory_space<hbm>>
      tpu.wait_indirect_dma semaphore(%arg8 : memref<!tpu.dma_semaphore, #tpu.memory_space<semaphore_mem>>) src(%dma_wait3A_114 : memref<100000x128xf32, #tpu.memory_space<hbm>>) dst(%dma_wait3A_108 : memref<128x128xf32, #tpu.memory_space<vmem>>)
      %add3A_115 = arith.constant 1 : i32
      %add3A_116 = arith.addi %mul3A_71, %add3A_115 : i32
      %mul3A_117 = arith.constant 128 : i32
      %mul3A_118 = arith.muli %add3A_116, %mul3A_117 : i32
      %add3A_119 = arith.addi %mul3A_2, %mul3A_118 : i32
      %dma_start3A_120 = arith.constant 1 : i32
      %dma_start3A_121 = arith.constant 0 : i32
      %dma_start3A_122 = arith.constant 0 : i32
      %dma_start3A_123 = tpu.memref_slice %arg6[%dma_start3A_120, %dma_start3A_121, %dma_start3A_122] : memref<5x128x128xf32, #tpu.memory_space<vmem>> -> memref<1x128x128xf32, #tpu.memory_space<vmem>>
      %dma_start3A_124 = tpu.memref_squeeze %dma_start3A_123 : memref<1x128x128xf32, #tpu.memory_space<vmem>> -> memref<128x128xf32, #tpu.memory_space<vmem>>
      %dma_start3A_125 = arith.constant 0 : i32
      %dma_start3A_126 = tpu.memref_slice %arg4[%add3A_119, %dma_start3A_125] : memref<819200x128xf32, #tpu.memory_space<hbm>> -> memref<128x128xf32, #tpu.memory_space<hbm>>
      %dma_start3A_127 = arith.constant 0 : i32
      %dma_start3A_128 = tpu.memref_slice %arg4[%add3A_119, %dma_start3A_127] : memref<819200x128xf32, #tpu.memory_space<hbm>> -> memref<128x128xf32, #tpu.memory_space<hbm>>
      %dma_start3A_129 = arith.constant 0 : i32
      %dma_start3A_130 = arith.constant 0 : i32
      %dma_start3A_131 = tpu.memref_slice %arg6[%dma_start3A_120, %dma_start3A_129, %dma_start3A_130] : memref<5x128x128xf32, #tpu.memory_space<vmem>> -> memref<1x128x128xf32, #tpu.memory_space<vmem>>
      %dma_start3A_132 = tpu.memref_squeeze %dma_start3A_131 : memref<1x128x128xf32, #tpu.memory_space<vmem>> -> memref<128x128xf32, #tpu.memory_space<vmem>>
      tpu.enqueue_dma source(%dma_start3A_132 : memref<128x128xf32, #tpu.memory_space<vmem>>) target(%dma_start3A_128 : memref<128x128xf32, #tpu.memory_space<hbm>>) target_semaphore(%arg13 : memref<!tpu.dma_semaphore, #tpu.memory_space<semaphore_mem>>)
      %add3A_133 = arith.constant 2 : i32
      %add3A_134 = arith.addi %mul3A_71, %add3A_133 : i32
      %dma_wait3A_135 = arith.constant 2 : i32
      %dma_wait3A_136 = arith.constant 0 : i32
      %dma_wait3A_137 = arith.constant 0 : i32
      %dma_wait3A_138 = tpu.memref_slice %arg6[%dma_wait3A_135, %dma_wait3A_136, %dma_wait3A_137] : memref<5x128x128xf32, #tpu.memory_space<vmem>> -> memref<1x128x128xf32, #tpu.memory_space<vmem>>
      %dma_wait3A_139 = tpu.memref_squeeze %dma_wait3A_138 : memref<1x128x128xf32, #tpu.memory_space<vmem>> -> memref<128x128xf32, #tpu.memory_space<vmem>>
      %dma_wait3A_140 = arith.constant 0 : i32
      %dma_wait3A_141 = tpu.memref_slice %arg5[%add3A_134, %dma_wait3A_140] : memref<200x128xi32, #tpu.memory_space<vmem>> -> memref<1x128xi32, #tpu.memory_space<vmem>>
      %dma_wait3A_142 = tpu.memref_squeeze %dma_wait3A_141 : memref<1x128xi32, #tpu.memory_space<vmem>> -> memref<128xi32, #tpu.memory_space<vmem>>
      %dma_wait3A_143 = arith.constant 0 : i32
      %dma_wait3A_144 = arith.constant 0 : i32
      %dma_wait3A_145 = tpu.memref_slice %arg3[%dma_wait3A_143, %dma_wait3A_144] : memref<100000x128xf32, #tpu.memory_space<hbm>> -> memref<100000x128xf32, #tpu.memory_space<hbm>>
      tpu.wait_indirect_dma semaphore(%arg9 : memref<!tpu.dma_semaphore, #tpu.memory_space<semaphore_mem>>) src(%dma_wait3A_145 : memref<100000x128xf32, #tpu.memory_space<hbm>>) dst(%dma_wait3A_139 : memref<128x128xf32, #tpu.memory_space<vmem>>)
      %add3A_146 = arith.constant 2 : i32
      %add3A_147 = arith.addi %mul3A_71, %add3A_146 : i32
      %mul3A_148 = arith.constant 128 : i32
      %mul3A_149 = arith.muli %add3A_147, %mul3A_148 : i32
      %add3A_150 = arith.addi %mul3A_2, %mul3A_149 : i32
      %dma_start3A_151 = arith.constant 2 : i32
      %dma_start3A_152 = arith.constant 0 : i32
      %dma_start3A_153 = arith.constant 0 : i32
      %dma_start3A_154 = tpu.memref_slice %arg6[%dma_start3A_151, %dma_start3A_152, %dma_start3A_153] : memref<5x128x128xf32, #tpu.memory_space<vmem>> -> memref<1x128x128xf32, #tpu.memory_space<vmem>>
      %dma_start3A_155 = tpu.memref_squeeze %dma_start3A_154 : memref<1x128x128xf32, #tpu.memory_space<vmem>> -> memref<128x128xf32, #tpu.memory_space<vmem>>
      %dma_start3A_156 = arith.constant 0 : i32
      %dma_start3A_157 = tpu.memref_slice %arg4[%add3A_150, %dma_start3A_156] : memref<819200x128xf32, #tpu.memory_space<hbm>> -> memref<128x128xf32, #tpu.memory_space<hbm>>
      %dma_start3A_158 = arith.constant 0 : i32
      %dma_start3A_159 = tpu.memref_slice %arg4[%add3A_150, %dma_start3A_158] : memref<819200x128xf32, #tpu.memory_space<hbm>> -> memref<128x128xf32, #tpu.memory_space<hbm>>
      %dma_start3A_160 = arith.constant 0 : i32
      %dma_start3A_161 = arith.constant 0 : i32
      %dma_start3A_162 = tpu.memref_slice %arg6[%dma_start3A_151, %dma_start3A_160, %dma_start3A_161] : memref<5x128x128xf32, #tpu.memory_space<vmem>> -> memref<1x128x128xf32, #tpu.memory_space<vmem>>
      %dma_start3A_163 = tpu.memref_squeeze %dma_start3A_162 : memref<1x128x128xf32, #tpu.memory_space<vmem>> -> memref<128x128xf32, #tpu.memory_space<vmem>>
      tpu.enqueue_dma source(%dma_start3A_163 : memref<128x128xf32, #tpu.memory_space<vmem>>) target(%dma_start3A_159 : memref<128x128xf32, #tpu.memory_space<hbm>>) target_semaphore(%arg14 : memref<!tpu.dma_semaphore, #tpu.memory_space<semaphore_mem>>)
      %add3A_164 = arith.constant 3 : i32
      %add3A_165 = arith.addi %mul3A_71, %add3A_164 : i32
      %dma_wait3A_166 = arith.constant 3 : i32
      %dma_wait3A_167 = arith.constant 0 : i32
      %dma_wait3A_168 = arith.constant 0 : i32
      %dma_wait3A_169 = tpu.memref_slice %arg6[%dma_wait3A_166, %dma_wait3A_167, %dma_wait3A_168] : memref<5x128x128xf32, #tpu.memory_space<vmem>> -> memref<1x128x128xf32, #tpu.memory_space<vmem>>
      %dma_wait3A_170 = tpu.memref_squeeze %dma_wait3A_169 : memref<1x128x128xf32, #tpu.memory_space<vmem>> -> memref<128x128xf32, #tpu.memory_space<vmem>>
      %dma_wait3A_171 = arith.constant 0 : i32
      %dma_wait3A_172 = tpu.memref_slice %arg5[%add3A_165, %dma_wait3A_171] : memref<200x128xi32, #tpu.memory_space<vmem>> -> memref<1x128xi32, #tpu.memory_space<vmem>>
      %dma_wait3A_173 = tpu.memref_squeeze %dma_wait3A_172 : memref<1x128xi32, #tpu.memory_space<vmem>> -> memref<128xi32, #tpu.memory_space<vmem>>
      %dma_wait3A_174 = arith.constant 0 : i32
      %dma_wait3A_175 = arith.constant 0 : i32
      %dma_wait3A_176 = tpu.memref_slice %arg3[%dma_wait3A_174, %dma_wait3A_175] : memref<100000x128xf32, #tpu.memory_space<hbm>> -> memref<100000x128xf32, #tpu.memory_space<hbm>>
      tpu.wait_indirect_dma semaphore(%arg10 : memref<!tpu.dma_semaphore, #tpu.memory_space<semaphore_mem>>) src(%dma_wait3A_176 : memref<100000x128xf32, #tpu.memory_space<hbm>>) dst(%dma_wait3A_170 : memref<128x128xf32, #tpu.memory_space<vmem>>)
      %add3A_177 = arith.constant 3 : i32
      %add3A_178 = arith.addi %mul3A_71, %add3A_177 : i32
      %mul3A_179 = arith.constant 128 : i32
      %mul3A_180 = arith.muli %add3A_178, %mul3A_179 : i32
      %add3A_181 = arith.addi %mul3A_2, %mul3A_180 : i32
      %dma_start3A_182 = arith.constant 3 : i32
      %dma_start3A_183 = arith.constant 0 : i32
      %dma_start3A_184 = arith.constant 0 : i32
      %dma_start3A_185 = tpu.memref_slice %arg6[%dma_start3A_182, %dma_start3A_183, %dma_start3A_184] : memref<5x128x128xf32, #tpu.memory_space<vmem>> -> memref<1x128x128xf32, #tpu.memory_space<vmem>>
      %dma_start3A_186 = tpu.memref_squeeze %dma_start3A_185 : memref<1x128x128xf32, #tpu.memory_space<vmem>> -> memref<128x128xf32, #tpu.memory_space<vmem>>
      %dma_start3A_187 = arith.constant 0 : i32
      %dma_start3A_188 = tpu.memref_slice %arg4[%add3A_181, %dma_start3A_187] : memref<819200x128xf32, #tpu.memory_space<hbm>> -> memref<128x128xf32, #tpu.memory_space<hbm>>
      %dma_start3A_189 = arith.constant 0 : i32
      %dma_start3A_190 = tpu.memref_slice %arg4[%add3A_181, %dma_start3A_189] : memref<819200x128xf32, #tpu.memory_space<hbm>> -> memref<128x128xf32, #tpu.memory_space<hbm>>
      %dma_start3A_191 = arith.constant 0 : i32
      %dma_start3A_192 = arith.constant 0 : i32
      %dma_start3A_193 = tpu.memref_slice %arg6[%dma_start3A_182, %dma_start3A_191, %dma_start3A_192] : memref<5x128x128xf32, #tpu.memory_space<vmem>> -> memref<1x128x128xf32, #tpu.memory_space<vmem>>
      %dma_start3A_194 = tpu.memref_squeeze %dma_start3A_193 : memref<1x128x128xf32, #tpu.memory_space<vmem>> -> memref<128x128xf32, #tpu.memory_space<vmem>>
      tpu.enqueue_dma source(%dma_start3A_194 : memref<128x128xf32, #tpu.memory_space<vmem>>) target(%dma_start3A_190 : memref<128x128xf32, #tpu.memory_space<hbm>>) target_semaphore(%arg15 : memref<!tpu.dma_semaphore, #tpu.memory_space<semaphore_mem>>)
      %add3A_195 = arith.constant 4 : i32
      %add3A_196 = arith.addi %mul3A_71, %add3A_195 : i32
      %dma_wait3A_197 = arith.constant 4 : i32
      %dma_wait3A_198 = arith.constant 0 : i32
      %dma_wait3A_199 = arith.constant 0 : i32
      %dma_wait3A_200 = tpu.memref_slice %arg6[%dma_wait3A_197, %dma_wait3A_198, %dma_wait3A_199] : memref<5x128x128xf32, #tpu.memory_space<vmem>> -> memref<1x128x128xf32, #tpu.memory_space<vmem>>
      %dma_wait3A_201 = tpu.memref_squeeze %dma_wait3A_200 : memref<1x128x128xf32, #tpu.memory_space<vmem>> -> memref<128x128xf32, #tpu.memory_space<vmem>>
      %dma_wait3A_202 = arith.constant 0 : i32
      %dma_wait3A_203 = tpu.memref_slice %arg5[%add3A_196, %dma_wait3A_202] : memref<200x128xi32, #tpu.memory_space<vmem>> -> memref<1x128xi32, #tpu.memory_space<vmem>>
      %dma_wait3A_204 = tpu.memref_squeeze %dma_wait3A_203 : memref<1x128xi32, #tpu.memory_space<vmem>> -> memref<128xi32, #tpu.memory_space<vmem>>
      %dma_wait3A_205 = arith.constant 0 : i32
      %dma_wait3A_206 = arith.constant 0 : i32
      %dma_wait3A_207 = tpu.memref_slice %arg3[%dma_wait3A_205, %dma_wait3A_206] : memref<100000x128xf32, #tpu.memory_space<hbm>> -> memref<100000x128xf32, #tpu.memory_space<hbm>>
      tpu.wait_indirect_dma semaphore(%arg11 : memref<!tpu.dma_semaphore, #tpu.memory_space<semaphore_mem>>) src(%dma_wait3A_207 : memref<100000x128xf32, #tpu.memory_space<hbm>>) dst(%dma_wait3A_201 : memref<128x128xf32, #tpu.memory_space<vmem>>)
      %add3A_208 = arith.constant 4 : i32
      %add3A_209 = arith.addi %mul3A_71, %add3A_208 : i32
      %mul3A_210 = arith.constant 128 : i32
      %mul3A_211 = arith.muli %add3A_209, %mul3A_210 : i32
      %add3A_212 = arith.addi %mul3A_2, %mul3A_211 : i32
      %dma_start3A_213 = arith.constant 4 : i32
      %dma_start3A_214 = arith.constant 0 : i32
      %dma_start3A_215 = arith.constant 0 : i32
      %dma_start3A_216 = tpu.memref_slice %arg6[%dma_start3A_213, %dma_start3A_214, %dma_start3A_215] : memref<5x128x128xf32, #tpu.memory_space<vmem>> -> memref<1x128x128xf32, #tpu.memory_space<vmem>>
      %dma_start3A_217 = tpu.memref_squeeze %dma_start3A_216 : memref<1x128x128xf32, #tpu.memory_space<vmem>> -> memref<128x128xf32, #tpu.memory_space<vmem>>
      %dma_start3A_218 = arith.constant 0 : i32
      %dma_start3A_219 = tpu.memref_slice %arg4[%add3A_212, %dma_start3A_218] : memref<819200x128xf32, #tpu.memory_space<hbm>> -> memref<128x128xf32, #tpu.memory_space<hbm>>
      %dma_start3A_220 = arith.constant 0 : i32
      %dma_start3A_221 = tpu.memref_slice %arg4[%add3A_212, %dma_start3A_220] : memref<819200x128xf32, #tpu.memory_space<hbm>> -> memref<128x128xf32, #tpu.memory_space<hbm>>
      %dma_start3A_222 = arith.constant 0 : i32
      %dma_start3A_223 = arith.constant 0 : i32
      %dma_start3A_224 = tpu.memref_slice %arg6[%dma_start3A_213, %dma_start3A_222, %dma_start3A_223] : memref<5x128x128xf32, #tpu.memory_space<vmem>> -> memref<1x128x128xf32, #tpu.memory_space<vmem>>
      %dma_start3A_225 = tpu.memref_squeeze %dma_start3A_224 : memref<1x128x128xf32, #tpu.memory_space<vmem>> -> memref<128x128xf32, #tpu.memory_space<vmem>>
      tpu.enqueue_dma source(%dma_start3A_225 : memref<128x128xf32, #tpu.memory_space<vmem>>) target(%dma_start3A_221 : memref<128x128xf32, #tpu.memory_space<hbm>>) target_semaphore(%arg16 : memref<!tpu.dma_semaphore, #tpu.memory_space<semaphore_mem>>)
      %add3A_226 = arith.constant 0 : i32
      %add3A_227 = arith.addi %mul3A_71, %add3A_226 : i32
      %mul3A_228 = arith.constant 128 : i32
      %mul3A_229 = arith.muli %add3A_227, %mul3A_228 : i32
      %add3A_230 = arith.addi %mul3A_2, %mul3A_229 : i32
      %dma_wait3A_231 = arith.constant 0 : i32
      %dma_wait3A_232 = arith.constant 0 : i32
      %dma_wait3A_233 = arith.constant 0 : i32
      %dma_wait3A_234 = tpu.memref_slice %arg6[%dma_wait3A_231, %dma_wait3A_232, %dma_wait3A_233] : memref<5x128x128xf32, #tpu.memory_space<vmem>> -> memref<1x128x128xf32, #tpu.memory_space<vmem>>
      %dma_wait3A_235 = tpu.memref_squeeze %dma_wait3A_234 : memref<1x128x128xf32, #tpu.memory_space<vmem>> -> memref<128x128xf32, #tpu.memory_space<vmem>>
      %dma_wait3A_236 = arith.constant 0 : i32
      %dma_wait3A_237 = tpu.memref_slice %arg4[%add3A_230, %dma_wait3A_236] : memref<819200x128xf32, #tpu.memory_space<hbm>> -> memref<128x128xf32, #tpu.memory_space<hbm>>
      %dma_wait3A_238 = arith.constant 0 : i32
      %dma_wait3A_239 = tpu.memref_slice %arg4[%add3A_230, %dma_wait3A_238] : memref<819200x128xf32, #tpu.memory_space<hbm>> -> memref<128x128xf32, #tpu.memory_space<hbm>>
      %dma_wait3A_240 = arith.constant 0 : i32
      %dma_wait3A_241 = arith.constant 0 : i32
      %dma_wait3A_242 = tpu.memref_slice %arg6[%dma_wait3A_231, %dma_wait3A_240, %dma_wait3A_241] : memref<5x128x128xf32, #tpu.memory_space<vmem>> -> memref<1x128x128xf32, #tpu.memory_space<vmem>>
      %dma_wait3A_243 = tpu.memref_squeeze %dma_wait3A_242 : memref<1x128x128xf32, #tpu.memory_space<vmem>> -> memref<128x128xf32, #tpu.memory_space<vmem>>
      tpu.wait_dma2 semaphore(%arg12 : memref<!tpu.dma_semaphore, #tpu.memory_space<semaphore_mem>>) src(%dma_wait3A_243 : memref<128x128xf32, #tpu.memory_space<vmem>>) dst(%dma_wait3A_239 : memref<128x128xf32, #tpu.memory_space<hbm>>)
      %add3A_244 = arith.constant 0 : i32
      %add3A_245 = arith.addi %mul3A_71, %add3A_244 : i32
      %add3A_246 = arith.constant 5 : i32
      %add3A_247 = arith.addi %add3A_245, %add3A_246 : i32
      %lt3A = arith.constant 200 : i32
      %lt3A_248 = arith.cmpi slt, %add3A_247, %lt3A : i32
      %convert_element_type3A = arith.extui %lt3A_248 : i1 to i32
      %cond3A = arith.constant 0 : i32
      %cond3A_249 = arith.cmpi ne, %convert_element_type3A, %cond3A : i32
      scf.if %cond3A_249 {
        %add3A_359 = arith.constant 0 : i32
        %add3A_360 = arith.addi %mul3A_71, %add3A_359 : i32
        %add3A_361 = arith.constant 5 : i32
        %add3A_362 = arith.addi %add3A_360, %add3A_361 : i32
        %dma_start3A_363 = arith.constant 0 : i32
        %dma_start3A_364 = arith.constant 0 : i32
        %dma_start3A_365 = arith.constant 0 : i32
        %dma_start3A_366 = tpu.memref_slice %arg6[%dma_start3A_363, %dma_start3A_364, %dma_start3A_365] : memref<5x128x128xf32, #tpu.memory_space<vmem>> -> memref<1x128x128xf32, #tpu.memory_space<vmem>>
        %dma_start3A_367 = tpu.memref_squeeze %dma_start3A_366 : memref<1x128x128xf32, #tpu.memory_space<vmem>> -> memref<128x128xf32, #tpu.memory_space<vmem>>
        %dma_start3A_368 = arith.constant 0 : i32
        %dma_start3A_369 = tpu.memref_slice %arg5[%add3A_362, %dma_start3A_368] : memref<200x128xi32, #tpu.memory_space<vmem>> -> memref<1x128xi32, #tpu.memory_space<vmem>>
        %dma_start3A_370 = tpu.memref_squeeze %dma_start3A_369 : memref<1x128xi32, #tpu.memory_space<vmem>> -> memref<128xi32, #tpu.memory_space<vmem>>
        %dma_start3A_371 = arith.constant 0 : i32
        %dma_start3A_372 = arith.constant 0 : i32
        %dma_start3A_373 = tpu.memref_slice %arg3[%dma_start3A_371, %dma_start3A_372] : memref<100000x128xf32, #tpu.memory_space<hbm>> -> memref<100000x128xf32, #tpu.memory_space<hbm>>
        tpu.enqueue_indirect_dma source(%dma_start3A_373 : memref<100000x128xf32, #tpu.memory_space<hbm>>) target(%dma_start3A_367 : memref<128x128xf32, #tpu.memory_space<vmem>>) offsets(%dma_start3A_370 : memref<128xi32, #tpu.memory_space<vmem>>) semaphore(%arg7 : memref<!tpu.dma_semaphore, #tpu.memory_space<semaphore_mem>>)
      } else {
      }
      %add3A_250 = arith.constant 1 : i32
      %add3A_251 = arith.addi %mul3A_71, %add3A_250 : i32
      %mul3A_252 = arith.constant 128 : i32
      %mul3A_253 = arith.muli %add3A_251, %mul3A_252 : i32
      %add3A_254 = arith.addi %mul3A_2, %mul3A_253 : i32
      %dma_wait3A_255 = arith.constant 1 : i32
      %dma_wait3A_256 = arith.constant 0 : i32
      %dma_wait3A_257 = arith.constant 0 : i32
      %dma_wait3A_258 = tpu.memref_slice %arg6[%dma_wait3A_255, %dma_wait3A_256, %dma_wait3A_257] : memref<5x128x128xf32, #tpu.memory_space<vmem>> -> memref<1x128x128xf32, #tpu.memory_space<vmem>>
      %dma_wait3A_259 = tpu.memref_squeeze %dma_wait3A_258 : memref<1x128x128xf32, #tpu.memory_space<vmem>> -> memref<128x128xf32, #tpu.memory_space<vmem>>
      %dma_wait3A_260 = arith.constant 0 : i32
      %dma_wait3A_261 = tpu.memref_slice %arg4[%add3A_254, %dma_wait3A_260] : memref<819200x128xf32, #tpu.memory_space<hbm>> -> memref<128x128xf32, #tpu.memory_space<hbm>>
      %dma_wait3A_262 = arith.constant 0 : i32
      %dma_wait3A_263 = tpu.memref_slice %arg4[%add3A_254, %dma_wait3A_262] : memref<819200x128xf32, #tpu.memory_space<hbm>> -> memref<128x128xf32, #tpu.memory_space<hbm>>
      %dma_wait3A_264 = arith.constant 0 : i32
      %dma_wait3A_265 = arith.constant 0 : i32
      %dma_wait3A_266 = tpu.memref_slice %arg6[%dma_wait3A_255, %dma_wait3A_264, %dma_wait3A_265] : memref<5x128x128xf32, #tpu.memory_space<vmem>> -> memref<1x128x128xf32, #tpu.memory_space<vmem>>
      %dma_wait3A_267 = tpu.memref_squeeze %dma_wait3A_266 : memref<1x128x128xf32, #tpu.memory_space<vmem>> -> memref<128x128xf32, #tpu.memory_space<vmem>>
      tpu.wait_dma2 semaphore(%arg13 : memref<!tpu.dma_semaphore, #tpu.memory_space<semaphore_mem>>) src(%dma_wait3A_267 : memref<128x128xf32, #tpu.memory_space<vmem>>) dst(%dma_wait3A_263 : memref<128x128xf32, #tpu.memory_space<hbm>>)
      %add3A_268 = arith.constant 1 : i32
      %add3A_269 = arith.addi %mul3A_71, %add3A_268 : i32
      %add3A_270 = arith.constant 5 : i32
      %add3A_271 = arith.addi %add3A_269, %add3A_270 : i32
      %lt3A_272 = arith.constant 200 : i32
      %lt3A_273 = arith.cmpi slt, %add3A_271, %lt3A_272 : i32
      %convert_element_type3A_274 = arith.extui %lt3A_273 : i1 to i32
      %cond3A_275 = arith.constant 0 : i32
      %cond3A_276 = arith.cmpi ne, %convert_element_type3A_274, %cond3A_275 : i32
      scf.if %cond3A_276 {
        %add3A_359 = arith.constant 1 : i32
        %add3A_360 = arith.addi %mul3A_71, %add3A_359 : i32
        %add3A_361 = arith.constant 5 : i32
        %add3A_362 = arith.addi %add3A_360, %add3A_361 : i32
        %dma_start3A_363 = arith.constant 1 : i32
        %dma_start3A_364 = arith.constant 0 : i32
        %dma_start3A_365 = arith.constant 0 : i32
        %dma_start3A_366 = tpu.memref_slice %arg6[%dma_start3A_363, %dma_start3A_364, %dma_start3A_365] : memref<5x128x128xf32, #tpu.memory_space<vmem>> -> memref<1x128x128xf32, #tpu.memory_space<vmem>>
        %dma_start3A_367 = tpu.memref_squeeze %dma_start3A_366 : memref<1x128x128xf32, #tpu.memory_space<vmem>> -> memref<128x128xf32, #tpu.memory_space<vmem>>
        %dma_start3A_368 = arith.constant 0 : i32
        %dma_start3A_369 = tpu.memref_slice %arg5[%add3A_362, %dma_start3A_368] : memref<200x128xi32, #tpu.memory_space<vmem>> -> memref<1x128xi32, #tpu.memory_space<vmem>>
        %dma_start3A_370 = tpu.memref_squeeze %dma_start3A_369 : memref<1x128xi32, #tpu.memory_space<vmem>> -> memref<128xi32, #tpu.memory_space<vmem>>
        %dma_start3A_371 = arith.constant 0 : i32
        %dma_start3A_372 = arith.constant 0 : i32
        %dma_start3A_373 = tpu.memref_slice %arg3[%dma_start3A_371, %dma_start3A_372] : memref<100000x128xf32, #tpu.memory_space<hbm>> -> memref<100000x128xf32, #tpu.memory_space<hbm>>
        tpu.enqueue_indirect_dma source(%dma_start3A_373 : memref<100000x128xf32, #tpu.memory_space<hbm>>) target(%dma_start3A_367 : memref<128x128xf32, #tpu.memory_space<vmem>>) offsets(%dma_start3A_370 : memref<128xi32, #tpu.memory_space<vmem>>) semaphore(%arg8 : memref<!tpu.dma_semaphore, #tpu.memory_space<semaphore_mem>>)
      } else {
      }
      %add3A_277 = arith.constant 2 : i32
      %add3A_278 = arith.addi %mul3A_71, %add3A_277 : i32
      %mul3A_279 = arith.constant 128 : i32
      %mul3A_280 = arith.muli %add3A_278, %mul3A_279 : i32
      %add3A_281 = arith.addi %mul3A_2, %mul3A_280 : i32
      %dma_wait3A_282 = arith.constant 2 : i32
      %dma_wait3A_283 = arith.constant 0 : i32
      %dma_wait3A_284 = arith.constant 0 : i32
      %dma_wait3A_285 = tpu.memref_slice %arg6[%dma_wait3A_282, %dma_wait3A_283, %dma_wait3A_284] : memref<5x128x128xf32, #tpu.memory_space<vmem>> -> memref<1x128x128xf32, #tpu.memory_space<vmem>>
      %dma_wait3A_286 = tpu.memref_squeeze %dma_wait3A_285 : memref<1x128x128xf32, #tpu.memory_space<vmem>> -> memref<128x128xf32, #tpu.memory_space<vmem>>
      %dma_wait3A_287 = arith.constant 0 : i32
      %dma_wait3A_288 = tpu.memref_slice %arg4[%add3A_281, %dma_wait3A_287] : memref<819200x128xf32, #tpu.memory_space<hbm>> -> memref<128x128xf32, #tpu.memory_space<hbm>>
      %dma_wait3A_289 = arith.constant 0 : i32
      %dma_wait3A_290 = tpu.memref_slice %arg4[%add3A_281, %dma_wait3A_289] : memref<819200x128xf32, #tpu.memory_space<hbm>> -> memref<128x128xf32, #tpu.memory_space<hbm>>
      %dma_wait3A_291 = arith.constant 0 : i32
      %dma_wait3A_292 = arith.constant 0 : i32
      %dma_wait3A_293 = tpu.memref_slice %arg6[%dma_wait3A_282, %dma_wait3A_291, %dma_wait3A_292] : memref<5x128x128xf32, #tpu.memory_space<vmem>> -> memref<1x128x128xf32, #tpu.memory_space<vmem>>
      %dma_wait3A_294 = tpu.memref_squeeze %dma_wait3A_293 : memref<1x128x128xf32, #tpu.memory_space<vmem>> -> memref<128x128xf32, #tpu.memory_space<vmem>>
      tpu.wait_dma2 semaphore(%arg14 : memref<!tpu.dma_semaphore, #tpu.memory_space<semaphore_mem>>) src(%dma_wait3A_294 : memref<128x128xf32, #tpu.memory_space<vmem>>) dst(%dma_wait3A_290 : memref<128x128xf32, #tpu.memory_space<hbm>>)
      %add3A_295 = arith.constant 2 : i32
      %add3A_296 = arith.addi %mul3A_71, %add3A_295 : i32
      %add3A_297 = arith.constant 5 : i32
      %add3A_298 = arith.addi %add3A_296, %add3A_297 : i32
      %lt3A_299 = arith.constant 200 : i32
      %lt3A_300 = arith.cmpi slt, %add3A_298, %lt3A_299 : i32
      %convert_element_type3A_301 = arith.extui %lt3A_300 : i1 to i32
      %cond3A_302 = arith.constant 0 : i32
      %cond3A_303 = arith.cmpi ne, %convert_element_type3A_301, %cond3A_302 : i32
      scf.if %cond3A_303 {
        %add3A_359 = arith.constant 2 : i32
        %add3A_360 = arith.addi %mul3A_71, %add3A_359 : i32
        %add3A_361 = arith.constant 5 : i32
        %add3A_362 = arith.addi %add3A_360, %add3A_361 : i32
        %dma_start3A_363 = arith.constant 2 : i32
        %dma_start3A_364 = arith.constant 0 : i32
        %dma_start3A_365 = arith.constant 0 : i32
        %dma_start3A_366 = tpu.memref_slice %arg6[%dma_start3A_363, %dma_start3A_364, %dma_start3A_365] : memref<5x128x128xf32, #tpu.memory_space<vmem>> -> memref<1x128x128xf32, #tpu.memory_space<vmem>>
        %dma_start3A_367 = tpu.memref_squeeze %dma_start3A_366 : memref<1x128x128xf32, #tpu.memory_space<vmem>> -> memref<128x128xf32, #tpu.memory_space<vmem>>
        %dma_start3A_368 = arith.constant 0 : i32
        %dma_start3A_369 = tpu.memref_slice %arg5[%add3A_362, %dma_start3A_368] : memref<200x128xi32, #tpu.memory_space<vmem>> -> memref<1x128xi32, #tpu.memory_space<vmem>>
        %dma_start3A_370 = tpu.memref_squeeze %dma_start3A_369 : memref<1x128xi32, #tpu.memory_space<vmem>> -> memref<128xi32, #tpu.memory_space<vmem>>
        %dma_start3A_371 = arith.constant 0 : i32
        %dma_start3A_372 = arith.constant 0 : i32
        %dma_start3A_373 = tpu.memref_slice %arg3[%dma_start3A_371, %dma_start3A_372] : memref<100000x128xf32, #tpu.memory_space<hbm>> -> memref<100000x128xf32, #tpu.memory_space<hbm>>
        tpu.enqueue_indirect_dma source(%dma_start3A_373 : memref<100000x128xf32, #tpu.memory_space<hbm>>) target(%dma_start3A_367 : memref<128x128xf32, #tpu.memory_space<vmem>>) offsets(%dma_start3A_370 : memref<128xi32, #tpu.memory_space<vmem>>) semaphore(%arg9 : memref<!tpu.dma_semaphore, #tpu.memory_space<semaphore_mem>>)
      } else {
      }
      %add3A_304 = arith.constant 3 : i32
      %add3A_305 = arith.addi %mul3A_71, %add3A_304 : i32
      %mul3A_306 = arith.constant 128 : i32
      %mul3A_307 = arith.muli %add3A_305, %mul3A_306 : i32
      %add3A_308 = arith.addi %mul3A_2, %mul3A_307 : i32
      %dma_wait3A_309 = arith.constant 3 : i32
      %dma_wait3A_310 = arith.constant 0 : i32
      %dma_wait3A_311 = arith.constant 0 : i32
      %dma_wait3A_312 = tpu.memref_slice %arg6[%dma_wait3A_309, %dma_wait3A_310, %dma_wait3A_311] : memref<5x128x128xf32, #tpu.memory_space<vmem>> -> memref<1x128x128xf32, #tpu.memory_space<vmem>>
      %dma_wait3A_313 = tpu.memref_squeeze %dma_wait3A_312 : memref<1x128x128xf32, #tpu.memory_space<vmem>> -> memref<128x128xf32, #tpu.memory_space<vmem>>
      %dma_wait3A_314 = arith.constant 0 : i32
      %dma_wait3A_315 = tpu.memref_slice %arg4[%add3A_308, %dma_wait3A_314] : memref<819200x128xf32, #tpu.memory_space<hbm>> -> memref<128x128xf32, #tpu.memory_space<hbm>>
      %dma_wait3A_316 = arith.constant 0 : i32
      %dma_wait3A_317 = tpu.memref_slice %arg4[%add3A_308, %dma_wait3A_316] : memref<819200x128xf32, #tpu.memory_space<hbm>> -> memref<128x128xf32, #tpu.memory_space<hbm>>
      %dma_wait3A_318 = arith.constant 0 : i32
      %dma_wait3A_319 = arith.constant 0 : i32
      %dma_wait3A_320 = tpu.memref_slice %arg6[%dma_wait3A_309, %dma_wait3A_318, %dma_wait3A_319] : memref<5x128x128xf32, #tpu.memory_space<vmem>> -> memref<1x128x128xf32, #tpu.memory_space<vmem>>
      %dma_wait3A_321 = tpu.memref_squeeze %dma_wait3A_320 : memref<1x128x128xf32, #tpu.memory_space<vmem>> -> memref<128x128xf32, #tpu.memory_space<vmem>>
      tpu.wait_dma2 semaphore(%arg15 : memref<!tpu.dma_semaphore, #tpu.memory_space<semaphore_mem>>) src(%dma_wait3A_321 : memref<128x128xf32, #tpu.memory_space<vmem>>) dst(%dma_wait3A_317 : memref<128x128xf32, #tpu.memory_space<hbm>>)
      %add3A_322 = arith.constant 3 : i32
      %add3A_323 = arith.addi %mul3A_71, %add3A_322 : i32
      %add3A_324 = arith.constant 5 : i32
      %add3A_325 = arith.addi %add3A_323, %add3A_324 : i32
      %lt3A_326 = arith.constant 200 : i32
      %lt3A_327 = arith.cmpi slt, %add3A_325, %lt3A_326 : i32
      %convert_element_type3A_328 = arith.extui %lt3A_327 : i1 to i32
      %cond3A_329 = arith.constant 0 : i32
      %cond3A_330 = arith.cmpi ne, %convert_element_type3A_328, %cond3A_329 : i32
      scf.if %cond3A_330 {
        %add3A_359 = arith.constant 3 : i32
        %add3A_360 = arith.addi %mul3A_71, %add3A_359 : i32
        %add3A_361 = arith.constant 5 : i32
        %add3A_362 = arith.addi %add3A_360, %add3A_361 : i32
        %dma_start3A_363 = arith.constant 3 : i32
        %dma_start3A_364 = arith.constant 0 : i32
        %dma_start3A_365 = arith.constant 0 : i32
        %dma_start3A_366 = tpu.memref_slice %arg6[%dma_start3A_363, %dma_start3A_364, %dma_start3A_365] : memref<5x128x128xf32, #tpu.memory_space<vmem>> -> memref<1x128x128xf32, #tpu.memory_space<vmem>>
        %dma_start3A_367 = tpu.memref_squeeze %dma_start3A_366 : memref<1x128x128xf32, #tpu.memory_space<vmem>> -> memref<128x128xf32, #tpu.memory_space<vmem>>
        %dma_start3A_368 = arith.constant 0 : i32
        %dma_start3A_369 = tpu.memref_slice %arg5[%add3A_362, %dma_start3A_368] : memref<200x128xi32, #tpu.memory_space<vmem>> -> memref<1x128xi32, #tpu.memory_space<vmem>>
        %dma_start3A_370 = tpu.memref_squeeze %dma_start3A_369 : memref<1x128xi32, #tpu.memory_space<vmem>> -> memref<128xi32, #tpu.memory_space<vmem>>
        %dma_start3A_371 = arith.constant 0 : i32
        %dma_start3A_372 = arith.constant 0 : i32
        %dma_start3A_373 = tpu.memref_slice %arg3[%dma_start3A_371, %dma_start3A_372] : memref<100000x128xf32, #tpu.memory_space<hbm>> -> memref<100000x128xf32, #tpu.memory_space<hbm>>
        tpu.enqueue_indirect_dma source(%dma_start3A_373 : memref<100000x128xf32, #tpu.memory_space<hbm>>) target(%dma_start3A_367 : memref<128x128xf32, #tpu.memory_space<vmem>>) offsets(%dma_start3A_370 : memref<128xi32, #tpu.memory_space<vmem>>) semaphore(%arg10 : memref<!tpu.dma_semaphore, #tpu.memory_space<semaphore_mem>>)
      } else {
      }
      %add3A_331 = arith.constant 4 : i32
      %add3A_332 = arith.addi %mul3A_71, %add3A_331 : i32
      %mul3A_333 = arith.constant 128 : i32
      %mul3A_334 = arith.muli %add3A_332, %mul3A_333 : i32
      %add3A_335 = arith.addi %mul3A_2, %mul3A_334 : i32
      %dma_wait3A_336 = arith.constant 4 : i32
      %dma_wait3A_337 = arith.constant 0 : i32
      %dma_wait3A_338 = arith.constant 0 : i32
      %dma_wait3A_339 = tpu.memref_slice %arg6[%dma_wait3A_336, %dma_wait3A_337, %dma_wait3A_338] : memref<5x128x128xf32, #tpu.memory_space<vmem>> -> memref<1x128x128xf32, #tpu.memory_space<vmem>>
      %dma_wait3A_340 = tpu.memref_squeeze %dma_wait3A_339 : memref<1x128x128xf32, #tpu.memory_space<vmem>> -> memref<128x128xf32, #tpu.memory_space<vmem>>
      %dma_wait3A_341 = arith.constant 0 : i32
      %dma_wait3A_342 = tpu.memref_slice %arg4[%add3A_335, %dma_wait3A_341] : memref<819200x128xf32, #tpu.memory_space<hbm>> -> memref<128x128xf32, #tpu.memory_space<hbm>>
      %dma_wait3A_343 = arith.constant 0 : i32
      %dma_wait3A_344 = tpu.memref_slice %arg4[%add3A_335, %dma_wait3A_343] : memref<819200x128xf32, #tpu.memory_space<hbm>> -> memref<128x128xf32, #tpu.memory_space<hbm>>
      %dma_wait3A_345 = arith.constant 0 : i32
      %dma_wait3A_346 = arith.constant 0 : i32
      %dma_wait3A_347 = tpu.memref_slice %arg6[%dma_wait3A_336, %dma_wait3A_345, %dma_wait3A_346] : memref<5x128x128xf32, #tpu.memory_space<vmem>> -> memref<1x128x128xf32, #tpu.memory_space<vmem>>
      %dma_wait3A_348 = tpu.memref_squeeze %dma_wait3A_347 : memref<1x128x128xf32, #tpu.memory_space<vmem>> -> memref<128x128xf32, #tpu.memory_space<vmem>>
      tpu.wait_dma2 semaphore(%arg16 : memref<!tpu.dma_semaphore, #tpu.memory_space<semaphore_mem>>) src(%dma_wait3A_348 : memref<128x128xf32, #tpu.memory_space<vmem>>) dst(%dma_wait3A_344 : memref<128x128xf32, #tpu.memory_space<hbm>>)
      %add3A_349 = arith.constant 4 : i32
      %add3A_350 = arith.addi %mul3A_71, %add3A_349 : i32
      %add3A_351 = arith.constant 5 : i32
      %add3A_352 = arith.addi %add3A_350, %add3A_351 : i32
      %lt3A_353 = arith.constant 200 : i32
      %lt3A_354 = arith.cmpi slt, %add3A_352, %lt3A_353 : i32
      %convert_element_type3A_355 = arith.extui %lt3A_354 : i1 to i32
      %cond3A_356 = arith.constant 0 : i32
      %cond3A_357 = arith.cmpi ne, %convert_element_type3A_355, %cond3A_356 : i32
      scf.if %cond3A_357 {
        %add3A_359 = arith.constant 4 : i32
        %add3A_360 = arith.addi %mul3A_71, %add3A_359 : i32
        %add3A_361 = arith.constant 5 : i32
        %add3A_362 = arith.addi %add3A_360, %add3A_361 : i32
        %dma_start3A_363 = arith.constant 4 : i32
        %dma_start3A_364 = arith.constant 0 : i32
        %dma_start3A_365 = arith.constant 0 : i32
        %dma_start3A_366 = tpu.memref_slice %arg6[%dma_start3A_363, %dma_start3A_364, %dma_start3A_365] : memref<5x128x128xf32, #tpu.memory_space<vmem>> -> memref<1x128x128xf32, #tpu.memory_space<vmem>>
        %dma_start3A_367 = tpu.memref_squeeze %dma_start3A_366 : memref<1x128x128xf32, #tpu.memory_space<vmem>> -> memref<128x128xf32, #tpu.memory_space<vmem>>
        %dma_start3A_368 = arith.constant 0 : i32
        %dma_start3A_369 = tpu.memref_slice %arg5[%add3A_362, %dma_start3A_368] : memref<200x128xi32, #tpu.memory_space<vmem>> -> memref<1x128xi32, #tpu.memory_space<vmem>>
        %dma_start3A_370 = tpu.memref_squeeze %dma_start3A_369 : memref<1x128xi32, #tpu.memory_space<vmem>> -> memref<128xi32, #tpu.memory_space<vmem>>
        %dma_start3A_371 = arith.constant 0 : i32
        %dma_start3A_372 = arith.constant 0 : i32
        %dma_start3A_373 = tpu.memref_slice %arg3[%dma_start3A_371, %dma_start3A_372] : memref<100000x128xf32, #tpu.memory_space<hbm>> -> memref<100000x128xf32, #tpu.memory_space<hbm>>
        tpu.enqueue_indirect_dma source(%dma_start3A_373 : memref<100000x128xf32, #tpu.memory_space<hbm>>) target(%dma_start3A_367 : memref<128x128xf32, #tpu.memory_space<vmem>>) offsets(%dma_start3A_370 : memref<128xi32, #tpu.memory_space<vmem>>) semaphore(%arg11 : memref<!tpu.dma_semaphore, #tpu.memory_space<semaphore_mem>>)
      } else {
      }
      %scan3A_358 = arith.constant 0 : i32
      scf.yield %scan3A_358 : i32
    }
    %scan3A_67 = arith.constant 40 : i32
    return
  }
}

</mosaic_0001>

<sc_bundles>
// kernel: kernel.3.cloned.1.call-start
scs
__scs_entry_jumppad:
0x0: {  	(pc) =	sbr.rel $0x88, $3  }
0x1: {  	(tag) =	ssettag $0x0;
	lr =	simm.s32 $0x1  }
0x2: {  	[smem:$0x3F9F] =	sst lr;
	_ =	strace $0xD0000000  }
0x3: {  	_ = 	snop  }
0x4: {  	_ = 	snop  }
0x5: {  	_ = 	snop  }
0x6: {  	_ = 	snop  }
0x7: {  	_ = 	snop  }
__scs_overlays_trampoline_lowered:
0x8: {  	[smem:$0x3FAE] =	sst s0  }
0x9: {  	[smem:$0x3FAF] =	sst s1  }
0xa: {  	[smem:$0x3FB0] =	sst s2  }
0xb: {  	[smem:$0x3FB1] =	sst s3  }
0xc: {  	[smem:$0x3FB2] =	sst s4  }
0xd: {  	[smem:$0x3FB3] =	sst s5  }
0xe: {  	[smem:$0x3FB4] =	sst s6  }
0xf: {  	[smem:$0x3FB5] =	sst s7  }
0x10: {  	[smem:$0x3FB6] =	sst s8  }
0x11: {  	[smem:$0x3FB7] =	sst s9;
	s0 =	simm.s32 @!p0 $0x0  }
0x12: {  	s1 =	sld [smem:$0x3F9D];
	s0 =	simm.s32 @p0 $0x1  }
0x13: {  	[smem:$0x3FB8] =	sst s0;
	s0 =	simm.s32 @!p1 $0x0  }
0x14: {  	s2 =	sld [smem:$0x3F9C];
	s0 =	simm.s32 @p1 $0x1  }
0x15: {  	[smem:$0x3FB9] =	sst s0;
	s0 =	simm.s32 @!p2 $0x0  }
0x16: {  	s3 =	sld [smem:$0x3FDB];
	s0 =	simm.s32 @p2 $0x1  }
0x17: {  	s4 =	simm.s32 $0x1BF5;
	[smem:$0x3FBB] =	sst s0  }
0x18: {  	s0 =	sld [smem:$0x3F9E];
	_ =	swait.ge [sflag:s4], $0x0  }
0x19: {  	s7 =	sld [smem:$0x3F9F]  }
0x1a: {  	s8 =	sadd.s32 $0xFFFFE003, lr  }
0x1b: {  	s9 =	sadd.s32 $0xFFFFFEF7, lr;
	s5 =	simm.s32 $0xFFFFFFFF;
	p2 =	slt.u32 s8, $0xFFFFF086  }
0x1c: {  	p1 =	slt.u32 s9, $0xF7A;
	s5 =	simm.s32 @!p2 $0x0  }
0x1d: {  	s5 =	simm.s32 @p1 $0x1;
	p0 =	seq.s32 s7, s2  }
0x1e: {  	s7 =	smul.u32 @!p0 $0xF7A, s2;
	p2 =	seq.s32 @!p0 s5, $0x0  }
0x1f: {  	s9 =	smul.u32 $0xF7A, s1;
	s8 =	simm.s32 @!p0 $0x1BF5;
	p2 =	por !p2, p0  }
0x20: {  	[sflag:s8] =	ssyncset.s32 @!p0 $0xFFFFF086;
	s6 =	sadd.s32 @!p0 s3, s7;
	s7 =	simm.s32 @!p0 $0x108  }
0x21: {  	s3 =	sadd.s32 s3, s9;
	s6 =	sadd.s32 @!p0 $0x88, s6;
	s7 =	simm.s32 @p2 $0x1082  }
0x22: {  	[simem:s7], [sflag:s8] =	dma.local @!p0 [hbm:s6], $0xF7A  }
0x23: {  	s9 =	sor.u32 $0xD0000000, s2;
	s6 =	simm.s32 $0x108;
	_ =	swait.ge @!p0 [sflag:s8], $0x0  }
0x24: {  	s3 =	sadd.s32 $0x88, s3;
	s6 =	simm.s32 @!p1 $0x1082;
	[sflag:s4] =	ssyncset.s32 $0xFFFFF086  }
0x25: {  	[simem:s6], [sflag:s4] =	dma.local [hbm:s3], $0xF7A  }
0x26: {  	[smem:$0x3F9F] =	sst s1;
	(tag) =	ssettag s2;
	_ =	strace s9  }
0x27: {  	s1 =	sld [smem:$0x3FAF]  }
0x28: {  	s2 =	sld [smem:$0x3FB0]  }
0x29: {  	s4 =	sld [smem:$0x3FB2]  }
0x2a: {  	p0 =	seq.s32 s5, $0x0;
	s5 =	sld [smem:$0x3FB3]  }
0x2b: {  	s6 =	sld [smem:$0x3FB4]  }
0x2c: {  	s7 =	sld [smem:$0x3FB5]  }
0x2d: {  	s3 =	simm.s32 $0x108;
	s8 =	sld [smem:$0x3FB6]  }
0x2e: {  	s3 =	simm.s32 @!p0 $0x1082;
	s9 =	sld [smem:$0x3FB7]  }
0x2f: {  	lr =	sadd.s32 s0, s3;
	s0 =	sld [smem:$0x3FAE]  }
0x30: {  	s3 =	sld [smem:$0x3FB1]  }
0x31: {  	[smem:$0x3FBA] =	sst s10  }
0x32: {  	s10 =	sld [smem:$0x3FB8];
	_ =	sdelay $0x3  }
0x33: {  	p0 =	seq.s32 s10, $0x1;
	s10 =	sld [smem:$0x3FBA];
	_ =	sdelay $0x3  }
0x34: {  	[smem:$0x3FBA] =	sst s10  }
0x35: {  	s10 =	sld [smem:$0x3FB9];
	_ =	sdelay $0x3  }
0x36: {  	p1 =	seq.s32 s10, $0x1;
	s10 =	sld [smem:$0x3FBA];
	_ =	sdelay $0x3  }
0x37: {  	[smem:$0x3FBA] =	sst s10  }
0x38: {  	s10 =	sld [smem:$0x3FBB]  }
0x39: {  	_ = 	snop;
	(pc) =	sbr.ind lr, $3  }
0x3a: {  	_ = 	snop  }
0x3b: {  	_ = 	snop  }
0x3c: {  	p2 =	seq.s32 s10, $0x1;
	s10 =	sld [smem:$0x3FBA]  }
0x3d: {  	_ =	shalt  }
0x3e: {  	_ =	shalt  }
0x3f: {  	_ =	shalt  }
0x40: {  	_ =	shalt  }
0x41: {  	_ =	shalt  }
0x42: {  	_ =	shalt  }
0x43: {  	_ =	shalt  }
0x44: {  	_ =	shalt  }
0x45: {  	_ =	shalt  }
0x46: {  	_ =	shalt  }
0x47: {  	_ =	shalt  }
0x48: {  	_ =	shalt  }
0x49: {  	_ =	shalt  }
0x4a: {  	_ =	shalt  }
0x4b: {  	_ =	shalt  }
0x4c: {  	_ =	shalt  }
0x4d: {  	_ =	shalt  }
0x4e: {  	_ =	shalt  }
0x4f: {  	_ =	shalt  }
0x50: {  	_ =	shalt  }
0x51: {  	_ =	shalt  }
0x52: {  	_ =	shalt  }
0x53: {  	_ =	shalt  }
0x54: {  	_ =	shalt  }
0x55: {  	_ =	shalt  }
0x56: {  	_ =	shalt  }
0x57: {  	_ =	shalt  }
0x58: {  	_ =	shalt  }
0x59: {  	_ =	shalt  }
0x5a: {  	_ =	shalt  }
0x5b: {  	_ =	shalt  }
0x5c: {  	_ =	shalt  }
0x5d: {  	_ =	shalt  }
0x5e: {  	_ =	shalt  }
0x5f: {  	_ =	shalt  }
0x60: {  	_ =	shalt  }
0x61: {  	_ =	shalt  }
0x62: {  	_ =	shalt  }
0x63: {  	_ =	shalt  }
0x64: {  	_ =	shalt  }
0x65: {  	_ =	shalt  }
0x66: {  	_ =	shalt  }
0x67: {  	_ =	shalt  }
0x68: {  	_ =	shalt  }
0x69: {  	_ =	shalt  }
0x6a: {  	_ =	shalt  }
0x6b: {  	_ =	shalt  }
0x6c: {  	_ =	shalt  }
0x6d: {  	_ =	shalt  }
0x6e: {  	_ =	shalt  }
0x6f: {  	_ =	shalt  }
0x70: {  	_ =	shalt  }
0x71: {  	_ =	shalt  }
0x72: {  	_ =	shalt  }
0x73: {  	_ =	shalt  }
0x74: {  	_ =	shalt  }
0x75: {  	_ =	shalt  }
0x76: {  	_ =	shalt  }
0x77: {  	_ =	shalt  }
0x78: {  	_ =	shalt  }
0x79: {  	_ =	shalt  }
0x7a: {  	_ =	shalt  }
0x7b: {  	_ =	shalt  }
0x7c: {  	_ =	shalt  }
0x7d: {  	_ =	shalt  }
0x7e: {  	_ =	shalt  }
0x7f: {  	_ =	shalt  }
0x80: {  	_ =	shalt  }
0x81: {  	_ =	shalt  }
0x82: {  	_ =	shalt  }
0x83: {  	_ =	shalt  }
0x84: {  	_ =	shalt  }
0x85: {  	_ =	shalt  }
0x86: {  	_ =	shalt  }
0x87: {  	_ =	shalt  }
.Lfunc_end0:
.L_simem_size_0:
called_computation_lowered:
.L_overlay_start_0:
0x88: {  	s2 =	sld [smem:$0x3FD9]  }
0x89: {  	s3 =	sld [smem:$0x3FFE];
	_ =	sdelay $0x1  }
0x8a: {  	s1 =	srdreg.scid  }
0x8b: {  	s0 =	sand.u32 $0x1, s1  }
0x8c: {  	s17 =	sshll.u32 s0, $0xA;
	s2 =	sadd.s32 s3, s2  }
0x8d: {  	s2 =	sadd.s32 s2, s17  }
0x8e: {  	[smem:$0x3FC6] =	sst s2  }
0x8f: {  	_ = 	snop  }
0x90: {  	s2 =	sld [smem:$0x3FC8]  }
0x91: {  	s18 =	sld [smem:$0x3FD0];
	(tm) =	ssettm $0x1  }
0x92: {  	s4 =	sld [smem:$0x3FFB];
	_ =	sdelay $0x3  }
0x93: {  	_ =	strace s4  }
0x94: {  	s4 =	sld [smem:$0x3FFC];
	_ =	sdelay $0x3  }
0x95: {  	_ =	strace s4  }
0x96: {  	s4 =	sld [smem:$0x3FFD];
	_ =	sdelay $0x3  }
0x97: {  	_ =	strace s4  }
0x98: {  	_ =	strace $0x8FFFFFFF  }
0x99: {  	s19 =	sld [smem:$0x3FDB];
	_ =	sdelay $0x1  }
0x9a: {  	s5 =	simm.s32 $_scs_section_size  }
0x9b: {  	s6 =	simm.s32 $_size__tile_overlayer_lowered;
	s7 =	simm.s32 $_tile_overlayer_lowered  }
0x9c: {  	s22 =	simm.s32 $0x1BFF;
	s21 =	sshll.u32 s7, $0x1;
	s4 =	sadd.s32 s5, s19  }
0x9d: {  	s8 =	simm.s32 $0x0;
	s20 =	sshll.u32 s6, $0x1;
	s6 =	sadd.s32 s21, s4  }
0x9e: {  	[timem:s8], [sflag:s22] =	dma.local [hbm:s6], s20  }
0x9f: {  	_ =	swait.ge [sflag:s22], s20  }
0xa0: {  	s5 =	ssub.s32 $0x0, s20;
	[sflag:s22] =	ssyncset.done $0x0  }
0xa1: {  	[sflag:s22] =	ssyncadd.s32 s5;
	_ =	sdelay $0x1  }
0xa2: {  	s23 =	simm.s32 $0x1B8B  }
0xa3: {  	_ =	swait.ge [sflag:s23], $0x1  }
0xa4: {  	[sflag:s23] =	ssyncset.done $0x0  }
0xa5: {  	s25 =	simm.s32 $0x1B8E;
	s24 =	sld [smem:$0x3FFE];
	[sflag:s23] =	ssyncadd.s32 $0xFFFFFFFF  }
0xa6: {  	s26 =	simm.s32 $execute0_lowered;
	[smem:$0x3FD2] =	sst s25  }
0xa7: {  	s6 =	sshll.u32 s26, $0x1;
	_ =	strace $0x80000046;
	[dreg:$0x1] =	wrdreg $0xFFFFFFFF  }
0xa8: {  	s28 =	simm.s32 $_size_execute0_lowered;
	s4 =	sadd.s32 s4, s6;
	[dreg:$0x0] =	wrdreg $0x0  }
0xa9: {  	s6 =	sshll.u32 s28, $0x1;
	[dreg:$0x2] =	wrdreg s4  }
0xaa: {  	[dreg:$0x3] =	wrdreg s6  }
0xab: {  	[dreg:$0x4] =	wrdreg $0xC0  }
0xac: {  	_ =	task [dreg:s8], $0x5FFFF  }
0xad: {  	[dreg:$0x1] =	wrdreg $0xFFFFFFFF  }
0xae: {  	[dreg:$0x0] =	wrdreg $0x60  }
0xaf: {  	[dreg:$0x2] =	wrdreg s24  }
0xb0: {  	[dreg:$0x3] =	wrdreg s2  }
0xb1: {  	[dreg:$0x4] =	wrdreg s18  }
0xb2: {  	[dreg:$0x5] =	wrdreg $0x9  }
0xb3: {  	_ =	task.clear_ibuf [dreg:s8], $0x6FFFF;
	_ =	strace $0x90000046  }
0xb4: {  	s29 =	simm.s32 $0x9;
	_ =	strace $0x80000048  }
0xb5: {  	_ =	swait.ge [sflag:s29], $0x1  }
0xb6: {  	[sflag:s29] =	ssyncadd.s32 $0xFFFFFFFF  }
0xb7: {  	_ =	strace $0x90000048  }
0xb8: {  	_ =	sfence  }
0xb9: {  	s30 =	sld [smem:$0x0];
	_ =	sdelay $0x2  }
0xba: {  	s31 =	sshll.u32 s1, $0xD;
	s1 =	sshrl.u32 s1, $0x2  }
0xbb: {  	s3 =	sand.u32 $0x4000, s31;
	s1 =	sadd.s32 s1, s30  }
0xbc: {  	s0 =	sor.u32 s3, s0;
	s1 =	sshll.u32 s1, $0x11  }
0xbd: {  	s0 =	sor.u32 s1, s0  }
0xbe: {  	s0 =	sadd.s32 $0x8F2B, s0  }
0xbf: {  	[sflag:s0] =	ssyncadd.remote.s32 $0x1  }
0xc0: {  	_ =	sfence.sel $0xFFFF  }
0xc1: {  	[dreg:$0x0] =	wrdreg $0xFFFFFFFF;
	(pc) =	sbr.abs _section_cstart, $3  }
0xc2: {  	[dreg:$0x1] =	wrdreg $0xFFFFFFFF  }
0xc3: {  	_ =	task.clear_ibuf [dreg:s8], $0x2FFFF;
	_ =	strace $0x9FFFFFFF  }
0xc4: {  	(tm) =	ssettm $0x7FFFFFFF  }
0xc5: {  	_ =	shalt  }
tec
execute0_lowered:
.L_overlay_start_1:
0x0: {  	(tag) =	ssettag $0x1  }
0x1: {  	s4 =	rddreg [dreg:$0x0];
	s1 =	srdreg.scid  }
0x2: {  	s0 =	stileid.u32;
	s2 =	rddreg [dreg:$0x1]  }
0x3: {  	s6 =	rddreg [dreg:$0x2];
	s3 =	simm.s32 $0x0;
	s11 =	simm.s32 $0x100  }
0x4: {  	s12 =	simm.s32 $0xE400;
	s13 =	simm.s32 $0x180;
	s14 =	simm.s32 $0x12400  }
0x5: {  	s15 =	simm.s32 $0x200;
	s16 =	simm.s32 $0x16400;
	s17 =	simm.s32 $0x1  }
0x6: {  	s18 =	simm.s32 $0x2;
	s19 =	simm.s32 $0x3;
	s20 =	simm.s32 $0x4  }
0x7: {  	s21 =	simm.s32 $0x5;
	s22 =	simm.s32 $0x6;
	s23 =	simm.s32 $0x7  }
0x8: {  	s24 =	simm.s32 $0x8;
	s25 =	simm.s32 $0x9;
	s26 =	simm.s32 $0xA  }
0x9: {  	s5 =	sand.u32 $0x1, s1;
	s30 =	sshll.u32 s0, $0x1;
	s8 =	smul.u32 $0xC8000, s0  }
0xa: {  	s7 =	sor.u32 s5, s30;
	s9 =	ssub.s32 $0x2, s5;
	s5 =	smul.u32 $0x64000, s5  }
0xb: {  	s28 =	simm.s32 $0x0;
	[smem:$0x7FF] =	sst s3;
	s7 =	smul.u32 $0x6400, s7  }
.Ltmp0:
0xc: {  	_ =	strace $0x80000047;
	s10 =	sshrl.u32 s9, $0x1;
	(pc) =	sbr.rel .LBB2_1-.Ltmp0, $4  }
0xd: {  	s6 =	sadd.s32 s8, s6;
	s8 =	simm.s32 $0x80;
	s31 =	ssub.s32 s9, s10  }
0xe: {  	s6 =	sadd.s32 s5, s6;
	s9 =	simm.s32 $0x6400;
	s7 =	sshrl.u32 s7, $0x3  }
0xf: {  	s10 =	simm.s32 $0xA400;
	s5 =	smax.u32 s31, $0x1;
	s4 =	sadd.s32 s7, s4  }
0x10: {  	s6 =	sadd.s32 $0x2000, s6;
	s7 =	simm.s32 $0xB;
	s4 =	sadd.s32 $0x400, s4  }
.LBB2_4:
0x11: {  	_ =	swait.ge [sflag:s23], $0x4000  }
0x12: {  	[sflag:s23] =	ssyncset.done $0x0  }
0x13: {  	[sflag:s23] =	ssyncadd.s32 $0xFFFFC000  }
0x14: {  	_ =	swait.ge [sflag:s24], $0x4000  }
0x15: {  	[sflag:s24] =	ssyncset.done $0x0  }
0x16: {  	s28 =	sadd.s32 $0x1, s28;
	[sflag:s24] =	ssyncadd.s32 $0xFFFFC000  }
0x17: {  	p0 =	sne.s32 s28, s5;
	_ =	swait.ge [sflag:s25], $0x4000  }
.Ltmp1:
0x18: {  	[sflag:s25] =	ssyncset.done $0x0;
	(pc) =	sbr.rel @!p0 .LBB2_5-.Ltmp1, $4  }
0x19: {  	[sflag:s25] =	ssyncadd.s32 $0xFFFFC000  }
0x1a: {  	_ =	swait.ge [sflag:s26], $0x4000  }
0x1b: {  	[sflag:s26] =	ssyncset.done $0x0  }
0x1c: {  	[sflag:s26] =	ssyncadd.s32 $0xFFFFC000  }
.LBB2_1:
0x1d: {  	[tilespmem:s3], [sflag:$0xB] =	stream.linear.gather [hbm4b:s4+s3], $0x6400, $0x38;
	[tilespmem:$0x1A400] =	vst v63  }
0x1e: {  	_ =	swait.ge [sflag:s7], $0x6400  }
0x1f: {  	[sflag:s7] =	ssyncset.done $0x0  }
0x20: {  	[sflag:s7] =	ssyncadd.s32 $0xFFFF9C00  }
0x21: {  	[tilespmem:s9], [sflag:$0x1] =	stream.indirect.gather [hbm4b:s2+s8], $0x80, s3, s8, $0xb8;
	[tilespmem:$0x1A400] =	vst v63  }
0x22: {  	_ = 	snop  }
0x23: {  	[tilespmem:s10], [sflag:$0x2] =	stream.indirect.gather [hbm4b:s2+s8], $0x80, s8, s8, $0xb8;
	[tilespmem:$0x1A400] =	vst v63  }
0x24: {  	_ = 	snop  }
0x25: {  	[tilespmem:s12], [sflag:$0x3] =	stream.indirect.gather [hbm4b:s2+s8], $0x80, s11, s8, $0xb8;
	[tilespmem:$0x1A400] =	vst v63  }
0x26: {  	_ = 	snop  }
0x27: {  	[tilespmem:s14], [sflag:$0x4] =	stream.indirect.gather [hbm4b:s2+s8], $0x80, s13, s8, $0xb8;
	[tilespmem:$0x1A400] =	vst v63  }
0x28: {  	s29 =	smov.u32 s6;
	s30 =	simm.s32 $0x0  }
0x29: {  	[tilespmem:s16], [sflag:$0x5] =	stream.indirect.gather [hbm4b:s2+s8], $0x80, s15, s8, $0xb8;
	[tilespmem:$0x1A400] =	vst v63  }
.LBB2_2:
0x2a: {  	_ =	swait.ge [sflag:s17], $0x4000  }
0x2b: {  	[sflag:s17] =	ssyncset.done $0x0  }
0x2c: {  	s31 =	sadd.s32 $0xFFFFE000, s29;
	[sflag:s17] =	ssyncadd.s32 $0xFFFFC000  }
0x2d: {  	[hbm4b:s31+s3] =	stream.linear.scatter [tilespmem:s9], [sflag:$0x6], $0x4000, $0x38;
	[tilespmem:$0x1A400] =	vst v63  }
0x2e: {  	_ =	swait.ge [sflag:s18], $0x4000  }
0x2f: {  	[sflag:s18] =	ssyncset.done $0x0  }
0x30: {  	s1 =	sadd.s32 $0xFFFFE800, s29;
	[sflag:s18] =	ssyncadd.s32 $0xFFFFC000  }
0x31: {  	[hbm4b:s1+s3] =	stream.linear.scatter [tilespmem:s10], [sflag:$0x7], $0x4000, $0x38;
	[tilespmem:$0x1A400] =	vst v63  }
0x32: {  	_ =	swait.ge [sflag:s19], $0x4000  }
0x33: {  	[sflag:s19] =	ssyncset.done $0x0  }
0x34: {  	s1 =	sadd.s32 $0xFFFFF000, s29;
	[sflag:s19] =	ssyncadd.s32 $0xFFFFC000  }
0x35: {  	[hbm4b:s1+s3] =	stream.linear.scatter [tilespmem:s12], [sflag:$0x8], $0x4000, $0x38;
	[tilespmem:$0x1A400] =	vst v63  }
0x36: {  	_ =	swait.ge [sflag:s20], $0x4000  }
0x37: {  	[sflag:s20] =	ssyncset.done $0x0  }
0x38: {  	s1 =	sadd.s32 $0xFFFFF800, s29;
	[sflag:s20] =	ssyncadd.s32 $0xFFFFC000  }
0x39: {  	[hbm4b:s1+s3] =	stream.linear.scatter [tilespmem:s14], [sflag:$0x9], $0x4000, $0x38;
	[tilespmem:$0x1A400] =	vst v63  }
0x3a: {  	_ =	swait.ge [sflag:s21], $0x4000  }
0x3b: {  	p0 =	seq.s32 s30, $0x18600;
	[sflag:s21] =	ssyncset.done $0x0  }
.Ltmp2:
0x3c: {  	[sflag:s21] =	ssyncadd.s32 $0xFFFFC000;
	(pc) =	sbr.rel @p0 .LBB2_4-.Ltmp2, $4  }
0x3d: {  	[hbm4b:s29+s3] =	stream.linear.scatter [tilespmem:s16], [sflag:$0xA], $0x4000, $0x38;
	[tilespmem:$0x1A400] =	vst v63  }
0x3e: {  	_ =	swait.ge [sflag:s22], $0x4000  }
0x3f: {  	[sflag:s22] =	ssyncset.done $0x0  }
0x40: {  	[sflag:s22] =	ssyncadd.s32 $0xFFFFC000  }
0x41: {  	s31 =	sshra.s32 s30, $0x2  }
0x42: {  	s1 =	sadd.s32 $0x280, s31  }
0x43: {  	[tilespmem:s9], [sflag:$0x1] =	stream.indirect.gather [hbm4b:s2+s8], $0x80, s1, s8, $0xb8;
	[tilespmem:$0x1A400] =	vst v63  }
0x44: {  	_ =	swait.ge [sflag:s23], $0x4000  }
0x45: {  	[sflag:s23] =	ssyncset.done $0x0  }
0x46: {  	s1 =	sadd.s32 $0x300, s31;
	[sflag:s23] =	ssyncadd.s32 $0xFFFFC000  }
0x47: {  	[tilespmem:s10], [sflag:$0x2] =	stream.indirect.gather [hbm4b:s2+s8], $0x80, s1, s8, $0xb8;
	[tilespmem:$0x1A400] =	vst v63  }
0x48: {  	_ =	swait.ge [sflag:s24], $0x4000  }
0x49: {  	[sflag:s24] =	ssyncset.done $0x0  }
0x4a: {  	s1 =	sadd.s32 $0x380, s31;
	[sflag:s24] =	ssyncadd.s32 $0xFFFFC000  }
0x4b: {  	[tilespmem:s12], [sflag:$0x3] =	stream.indirect.gather [hbm4b:s2+s8], $0x80, s1, s8, $0xb8;
	[tilespmem:$0x1A400] =	vst v63  }
0x4c: {  	_ =	swait.ge [sflag:s25], $0x4000  }
0x4d: {  	[sflag:s25] =	ssyncset.done $0x0  }
0x4e: {  	s1 =	sadd.s32 $0x400, s31;
	[sflag:s25] =	ssyncadd.s32 $0xFFFFC000  }
0x4f: {  	[tilespmem:s14], [sflag:$0x4] =	stream.indirect.gather [hbm4b:s2+s8], $0x80, s1, s8, $0xb8;
	[tilespmem:$0x1A400] =	vst v63  }
.Ltmp3:
0x50: {  	_ = 	snop;
	(pc) =	sbr.rel .LBB2_2-.Ltmp3, $4  }
0x51: {  	_ =	swait.ge [sflag:s26], $0x4000  }
0x52: {  	s30 =	sadd.s32 $0xA00, s30;
	[sflag:s26] =	ssyncset.done $0x0  }
0x53: {  	s29 =	sadd.s32 $0x2800, s29;
	s31 =	sadd.s32 $0x480, s31;
	[sflag:s26] =	ssyncadd.s32 $0xFFFFC000  }
0x54: {  	[tilespmem:s16], [sflag:$0x5] =	stream.indirect.gather [hbm4b:s2+s8], $0x80, s31, s8, $0xb8;
	[tilespmem:$0x1A400] =	vst v63  }
.LBB2_5:
0x55: {  	_ =	sfence.sel $0x180000  }
0x56: {  	[bflag:$0x0] =	sbarrier.arrive $0xFFFF  }
0x57: {  	_ =	strace $0x90000047  }
0x58: {  	[bflag:$0x2] =	sbarrier.arrive $0xFFFF  }
0x59: {  	p0 =	sne.s32 s0, $0x0;
	s0 =	rddreg [dreg:$0x3]  }
0x5a: {  	s0 =	sadd.s32 @!p0 $0x100000, s0  }
0x5b: {  	[sflag:s0] =	ssyncadd.tile.s32 @!p0 $0x1;
	_ =	shalt  }
.Lfunc_end2:
_tile_overlayer_lowered:
.L_overlay_start_2:
0x5c: {  	(tag) =	ssettag $0x2  }
0x5d: {  	s0 =	rddreg [dreg:$0x0];
	s2 =	stileid.u32  }
0x5e: {  	s1 =	rddreg [dreg:$0x1];
	p0 =	sne.s32 s2, $0x0  }
0x5f: {  	s3 =	rddreg [dreg:$0x2];
	[bflag:$0x3] =	sbarrier.arrive $0xFFFF;
	s2 =	simm.s32 @!p0 $0x1C0B  }
0x60: {  	[timem:s3], [sflag:s2] =	dma.local @!p0 [hbm:s0], s1  }
0x61: {  	s0 =	simm.s32 @!p0 $0xB  }
0x62: {  	_ =	swait.ge @!p0 [sflag:s0], s1  }
0x63: {  	s1 =	ssub.s32 @!p0 $0x0, s1;
	[sflag:s0] =	ssyncset.done @!p0 $0x0  }
0x64: {  	[sflag:s0] =	ssyncadd.s32 @!p0 s1  }
0x65: {  	[bflag:$0x3] =	sbarrier.arrive $0xFFFF  }
0x66: {  	_ =	shalt  }

</sc_bundles>
